<compile_context>
chip_gen: v7x
topology: tpu7x:2x2x1
jax: 0.10.2.dev20260603
libtpu: 0.0.44.dev20260713+nightly
codegen_flags: <defaults>
</compile_context>

<pallas_src>
import functools

import jax
import jax.numpy as jnp
from jax import lax
from jax.experimental import pallas as pl
from jax.experimental.pallas import tpu as pltpu
from jax.experimental.pallas import tpu_sc as plsc

N_NODES = 10000
N_EDGES = 320000
D = 128
DA = 160

NP = 10240
CH = 128
NCH = 2528
E_PAD = NCH * CH
CPW = NCH // 32
NPT = NP // 16


def _sc_scatter(xa, src3d, dst3d):
    mesh = plsc.VectorSubcoreMesh(core_axis_name="c", subcore_axis_name="s")

    @functools.partial(
        pl.kernel,
        out_type=(
            jax.ShapeDtypeStruct((NP, DA), jnp.bfloat16),
            jax.ShapeDtypeStruct((NP, DA), jnp.bfloat16),
        ),
        mesh=mesh,
        compiler_params=pltpu.CompilerParams(use_tc_tiling_on_sc=False),
        scratch_types=(
            pltpu.VMEM((CH, DA), jnp.bfloat16),
            pltpu.VMEM((CPW, CH), jnp.int32),
            pltpu.VMEM((CPW, CH), jnp.int32),
            pltpu.VMEM_SHARED((NP, DA), jnp.bfloat16),
        ),
    )
    def k(x_hbm, src_hbm, dst_hbm, acc0_out, acc1_out,
          rows_v, sidx_v, didx_v, acc_sh):
        cid = lax.axis_index("c")
        sid = lax.axis_index("s")

        z32 = jnp.zeros((32,), jnp.bfloat16)

        def zrow(r, carry):
            for g in range(DA // 32):
                rows_v[r, pl.ds(g * 32, 32)] = z32
            return carry
        lax.fori_loop(0, CH, zrow, 0)

        nbase = sid * NPT
        for b in range(NPT // CH):
            pltpu.sync_copy(rows_v, acc_sh.at[pl.ds(nbase + b * CH, CH)])

        w = cid * 16 + sid
        pltpu.sync_copy(src_hbm.at[w], sidx_v)
        pltpu.sync_copy(dst_hbm.at[w], didx_v)

        plsc.subcore_barrier()

        def body(j, carry):
            pltpu.sync_copy(x_hbm.at[sidx_v.at[j]], rows_v)
            pltpu.sync_copy(rows_v, acc_sh.at[didx_v.at[j]], add=True)
            return carry
        lax.fori_loop(0, CPW, body, 0)

        plsc.subcore_barrier()

        @pl.when(cid == 0)
        def _():
            pltpu.sync_copy(acc_sh.at[pl.ds(nbase, NPT)],
                            acc0_out.at[pl.ds(nbase, NPT)])

        @pl.when(cid == 1)
        def _():
            pltpu.sync_copy(acc_sh.at[pl.ds(nbase, NPT)],
                            acc1_out.at[pl.ds(nbase, NPT)])

    return k(xa, src3d, dst3d)


def _finalize(x, acc0, acc1):
    B = 1000

    def body(x_ref, a0_ref, a1_ref, o_ref):
        a0 = a0_ref[...].astype(jnp.float32)
        a1 = a1_ref[...].astype(jnp.float32)
        s = a0[:, :D] + a1[:, :D]
        deg = jnp.maximum(a0[:, D:D + 1] + a1[:, D:D + 1], 1.0)
        o_ref[...] = 0.5 * (x_ref[...] + s / deg)

    return pl.pallas_call(
        body,
        grid=(N_NODES // B,),
        in_specs=[
            pl.BlockSpec((B, D), lambda i: (i, 0)),
            pl.BlockSpec((B, DA), lambda i: (i, 0)),
            pl.BlockSpec((B, DA), lambda i: (i, 0)),
        ],
        out_specs=pl.BlockSpec((B, D), lambda i: (i, 0)),
        out_shape=jax.ShapeDtypeStruct((N_NODES, D), jnp.float32),
    )(x, acc0, acc1)


def kernel(x, edge_index):
    src = edge_index[0].astype(jnp.int32)
    dst = edge_index[1].astype(jnp.int32)
    pad = E_PAD - N_EDGES
    src3d = jnp.concatenate(
        [src, jnp.zeros((pad,), jnp.int32)]).reshape(32, CPW, CH)
    dst3d = jnp.concatenate(
        [dst, jnp.full((pad,), N_NODES, jnp.int32)]).reshape(32, CPW, CH)
    xa = jnp.concatenate(
        [x.astype(jnp.bfloat16),
         jnp.ones((N_NODES, 1), jnp.bfloat16),
         jnp.zeros((N_NODES, DA - D - 1), jnp.bfloat16)], axis=1)
    acc0, acc1 = _sc_scatter(xa, src3d, dst3d)
    return _finalize(x, acc0, acc1)

# --- scband reference (transcript-rebuilt; emitter-appended) ---
"""Pipeline reference for scband-wlconv-continuous-936302871058 (READ-ONLY COPY).

The authoritative reference and input builder live on the scoring server;
editing this copy changes nothing except your own understanding.
"""

import jax, jax.numpy as jnp
import numpy as np

N_NODES = 10000
N_EDGES = 320000
D_FEAT = 128

def setup_inputs(seed: int = 0) -> dict:
    key = jax.random.key(seed)
    k1, k2 = jax.random.split(key)
    x = jax.random.normal(k1, (N_NODES, D_FEAT), dtype=jnp.float32)
    edge_index = jax.random.randint(k2, (2, N_EDGES), 0, N_NODES, dtype=jnp.int64)
    return {"x": x, "edge_index": edge_index}

def mean_propagate(x, edge_index):
    src = edge_index[0]
    dst = edge_index[1]
    msgs = jnp.take(x, src, axis=0)
    summed = jax.ops.segment_sum(msgs, dst, num_segments=N_NODES)
    deg = jax.ops.segment_sum(jnp.ones((edge_index.shape[1],), dtype=x.dtype), dst, num_segments=N_NODES)
    deg = jnp.clip(deg, 1.0, None)
    return summed / deg[:, None]

def reference(x, edge_index):
    return 0.5 * (x + mean_propagate(x, edge_index))

if __name__ == "__main__":
    import jax
    _d = setup_inputs()
    print(jax.jit(kernel)(*tuple(_d.values())))

</pallas_src>

<mosaic_0001>
#map = affine_map<(d0, d1) -> (0, 0)>
#map1 = affine_map<(d0, d1) -> (0, 0, 0)>
module attributes {stable_mosaic.version = 14 : i64} {
  func.func @k(%arg0: i32, %arg1: i32, %arg2: memref<10000x160xbf16, #tpu.memory_space<hbm>>, %arg3: memref<32x79x128xi32, #tpu.memory_space<hbm>>, %arg4: memref<32x79x128xi32, #tpu.memory_space<hbm>>, %arg5: memref<10240x160xbf16, #tpu.memory_space<hbm>>, %arg6: memref<10240x160xbf16, #tpu.memory_space<hbm>>, %arg7: memref<128x160xbf16, #tpu.memory_space<vmem>>, %arg8: memref<79x128xi32, #tpu.memory_space<vmem>>, %arg9: memref<79x128xi32, #tpu.memory_space<vmem>>, %arg10: memref<10240x160xbf16, #tpu.memory_space<vmem_shared>>) attributes {dimension_semantics = [#tpu.dimension_semantics<core_parallel>, #tpu.dimension_semantics<subcore_parallel>], iteration_bounds = array<i64: 2, 16>, scalar_prefetch = 0 : i64, scratch_operands = 4 : i64, tpu.core_type = #tpu.core_type<sc_vector_subcore>, window_params = [{transform_indices = #map}, {transform_indices = #map1}, {transform_indices = #map1}, {transform_indices = #map}, {transform_indices = #map}]} {
    %broadcast_in_dim3A = arith.constant 0.000000e+00 : bf16
    %broadcast_in_dim3A_0 = vector.broadcast %broadcast_in_dim3A : bf16 to vector<32xbf16>
    %scan3A = arith.constant 0 : i32
    %scan3A_1 = arith.constant 0 : i32
    %scan3A_2 = arith.constant 128 : i32
    %scan3A_3 = arith.addi %scan3A_1, %scan3A_2 : i32
    %scan3A_4 = arith.constant 1 : i32
    scf.for %scan3A_33 = %scan3A_1 to %scan3A_3 step %scan3A_4  : i32 {
      %swap3A = arith.index_cast %scan3A_33 : i32 to index
      %swap3A_34 = arith.constant 0 : index
      %swap3A_35 = tpu.vector_load %arg7[%swap3A, %swap3A_34] {strides = array<i32>} : memref<128x160xbf16, #tpu.memory_space<vmem>>, vector<1x32xbf16>,
      %swap3A_36 = vector.shape_cast %swap3A_35 : vector<1x32xbf16> to vector<32xbf16>
      %swap3A_37 = vector.shape_cast %broadcast_in_dim3A_0 : vector<32xbf16> to vector<1x32xbf16>
      tpu.vector_store %arg7[%swap3A, %swap3A_34], %swap3A_37 {strides = array<i32>} : memref<128x160xbf16, #tpu.memory_space<vmem>>, vector<1x32xbf16>,
      %swap3A_38 = arith.index_cast %scan3A_33 : i32 to index
      %swap3A_39 = arith.constant 32 : index
      %swap3A_40 = tpu.vector_load %arg7[%swap3A_38, %swap3A_39] {strides = array<i32>} : memref<128x160xbf16, #tpu.memory_space<vmem>>, vector<1x32xbf16>,
      %swap3A_41 = vector.shape_cast %swap3A_40 : vector<1x32xbf16> to vector<32xbf16>
      %swap3A_42 = vector.shape_cast %broadcast_in_dim3A_0 : vector<32xbf16> to vector<1x32xbf16>
      tpu.vector_store %arg7[%swap3A_38, %swap3A_39], %swap3A_42 {strides = array<i32>} : memref<128x160xbf16, #tpu.memory_space<vmem>>, vector<1x32xbf16>,
      %swap3A_43 = arith.index_cast %scan3A_33 : i32 to index
      %swap3A_44 = arith.constant 64 : index
      %swap3A_45 = tpu.vector_load %arg7[%swap3A_43, %swap3A_44] {strides = array<i32>} : memref<128x160xbf16, #tpu.memory_space<vmem>>, vector<1x32xbf16>,
      %swap3A_46 = vector.shape_cast %swap3A_45 : vector<1x32xbf16> to vector<32xbf16>
      %swap3A_47 = vector.shape_cast %broadcast_in_dim3A_0 : vector<32xbf16> to vector<1x32xbf16>
      tpu.vector_store %arg7[%swap3A_43, %swap3A_44], %swap3A_47 {strides = array<i32>} : memref<128x160xbf16, #tpu.memory_space<vmem>>, vector<1x32xbf16>,
      %swap3A_48 = arith.index_cast %scan3A_33 : i32 to index
      %swap3A_49 = arith.constant 96 : index
      %swap3A_50 = tpu.vector_load %arg7[%swap3A_48, %swap3A_49] {strides = array<i32>} : memref<128x160xbf16, #tpu.memory_space<vmem>>, vector<1x32xbf16>,
      %swap3A_51 = vector.shape_cast %swap3A_50 : vector<1x32xbf16> to vector<32xbf16>
      %swap3A_52 = vector.shape_cast %broadcast_in_dim3A_0 : vector<32xbf16> to vector<1x32xbf16>
      tpu.vector_store %arg7[%swap3A_48, %swap3A_49], %swap3A_52 {strides = array<i32>} : memref<128x160xbf16, #tpu.memory_space<vmem>>, vector<1x32xbf16>,
      %swap3A_53 = arith.index_cast %scan3A_33 : i32 to index
      %swap3A_54 = arith.constant 128 : index
      %swap3A_55 = tpu.vector_load %arg7[%swap3A_53, %swap3A_54] {strides = array<i32>} : memref<128x160xbf16, #tpu.memory_space<vmem>>, vector<1x32xbf16>,
      %swap3A_56 = vector.shape_cast %swap3A_55 : vector<1x32xbf16> to vector<32xbf16>
      %swap3A_57 = vector.shape_cast %broadcast_in_dim3A_0 : vector<32xbf16> to vector<1x32xbf16>
      tpu.vector_store %arg7[%swap3A_53, %swap3A_54], %swap3A_57 {strides = array<i32>} : memref<128x160xbf16, #tpu.memory_space<vmem>>, vector<1x32xbf16>,
    }
    %scan3A_5 = arith.constant 128 : i32
    %mul3A = arith.constant 640 : i32
    %mul3A_6 = arith.muli %arg1, %mul3A : i32
    %add3A = arith.constant 0 : i32
    %add3A_7 = arith.addi %mul3A_6, %add3A : i32
    "tpu.region"() ({
      %run_scoped3A = tpu.sem_alloc : memref<!tpu.dma_semaphore, #tpu.memory_space<semaphore_mem>>
      %dma_start3A = arith.constant 0 : i32
      %dma_start3A_33 = tpu.memref_slice %arg10[%add3A_7, %dma_start3A] : memref<10240x160xbf16, #tpu.memory_space<vmem_shared>> -> memref<128x160xbf16, #tpu.memory_space<vmem_shared>>
      %dma_start3A_34 = arith.constant 0 : i32
      %dma_start3A_35 = tpu.memref_slice %arg10[%add3A_7, %dma_start3A_34] : memref<10240x160xbf16, #tpu.memory_space<vmem_shared>> -> memref<128x160xbf16, #tpu.memory_space<vmem_shared>>
      tpu.enqueue_dma source(%arg7 : memref<128x160xbf16, #tpu.memory_space<vmem>>) target(%dma_start3A_35 : memref<128x160xbf16, #tpu.memory_space<vmem_shared>>) target_semaphore(%run_scoped3A : memref<!tpu.dma_semaphore, #tpu.memory_space<semaphore_mem>>)
      %dma_wait3A = arith.constant 0 : i32
      %dma_wait3A_36 = tpu.memref_slice %arg10[%add3A_7, %dma_wait3A] : memref<10240x160xbf16, #tpu.memory_space<vmem_shared>> -> memref<128x160xbf16, #tpu.memory_space<vmem_shared>>
      %dma_wait3A_37 = arith.constant 0 : i32
      %dma_wait3A_38 = tpu.memref_slice %arg10[%add3A_7, %dma_wait3A_37] : memref<10240x160xbf16, #tpu.memory_space<vmem_shared>> -> memref<128x160xbf16, #tpu.memory_space<vmem_shared>>
      tpu.wait_dma2 semaphore(%run_scoped3A : memref<!tpu.dma_semaphore, #tpu.memory_space<semaphore_mem>>) src(%arg7 : memref<128x160xbf16, #tpu.memory_space<vmem>>) dst(%dma_wait3A_38 : memref<128x160xbf16, #tpu.memory_space<vmem_shared>>)
      tpu.yield
    }) : () -> ()
    %add3A_8 = arith.constant 128 : i32
    %add3A_9 = arith.addi %mul3A_6, %add3A_8 : i32
    "tpu.region"() ({
      %run_scoped3A = tpu.sem_alloc : memref<!tpu.dma_semaphore, #tpu.memory_space<semaphore_mem>>
      %dma_start3A = arith.constant 0 : i32
      %dma_start3A_33 = tpu.memref_slice %arg10[%add3A_9, %dma_start3A] : memref<10240x160xbf16, #tpu.memory_space<vmem_shared>> -> memref<128x160xbf16, #tpu.memory_space<vmem_shared>>
      %dma_start3A_34 = arith.constant 0 : i32
      %dma_start3A_35 = tpu.memref_slice %arg10[%add3A_9, %dma_start3A_34] : memref<10240x160xbf16, #tpu.memory_space<vmem_shared>> -> memref<128x160xbf16, #tpu.memory_space<vmem_shared>>
      tpu.enqueue_dma source(%arg7 : memref<128x160xbf16, #tpu.memory_space<vmem>>) target(%dma_start3A_35 : memref<128x160xbf16, #tpu.memory_space<vmem_shared>>) target_semaphore(%run_scoped3A : memref<!tpu.dma_semaphore, #tpu.memory_space<semaphore_mem>>)
      %dma_wait3A = arith.constant 0 : i32
      %dma_wait3A_36 = tpu.memref_slice %arg10[%add3A_9, %dma_wait3A] : memref<10240x160xbf16, #tpu.memory_space<vmem_shared>> -> memref<128x160xbf16, #tpu.memory_space<vmem_shared>>
      %dma_wait3A_37 = arith.constant 0 : i32
      %dma_wait3A_38 = tpu.memref_slice %arg10[%add3A_9, %dma_wait3A_37] : memref<10240x160xbf16, #tpu.memory_space<vmem_shared>> -> memref<128x160xbf16, #tpu.memory_space<vmem_shared>>
      tpu.wait_dma2 semaphore(%run_scoped3A : memref<!tpu.dma_semaphore, #tpu.memory_space<semaphore_mem>>) src(%arg7 : memref<128x160xbf16, #tpu.memory_space<vmem>>) dst(%dma_wait3A_38 : memref<128x160xbf16, #tpu.memory_space<vmem_shared>>)
      tpu.yield
    }) : () -> ()
    %add3A_10 = arith.constant 256 : i32
    %add3A_11 = arith.addi %mul3A_6, %add3A_10 : i32
    "tpu.region"() ({
      %run_scoped3A = tpu.sem_alloc : memref<!tpu.dma_semaphore, #tpu.memory_space<semaphore_mem>>
      %dma_start3A = arith.constant 0 : i32
      %dma_start3A_33 = tpu.memref_slice %arg10[%add3A_11, %dma_start3A] : memref<10240x160xbf16, #tpu.memory_space<vmem_shared>> -> memref<128x160xbf16, #tpu.memory_space<vmem_shared>>
      %dma_start3A_34 = arith.constant 0 : i32
      %dma_start3A_35 = tpu.memref_slice %arg10[%add3A_11, %dma_start3A_34] : memref<10240x160xbf16, #tpu.memory_space<vmem_shared>> -> memref<128x160xbf16, #tpu.memory_space<vmem_shared>>
      tpu.enqueue_dma source(%arg7 : memref<128x160xbf16, #tpu.memory_space<vmem>>) target(%dma_start3A_35 : memref<128x160xbf16, #tpu.memory_space<vmem_shared>>) target_semaphore(%run_scoped3A : memref<!tpu.dma_semaphore, #tpu.memory_space<semaphore_mem>>)
      %dma_wait3A = arith.constant 0 : i32
      %dma_wait3A_36 = tpu.memref_slice %arg10[%add3A_11, %dma_wait3A] : memref<10240x160xbf16, #tpu.memory_space<vmem_shared>> -> memref<128x160xbf16, #tpu.memory_space<vmem_shared>>
      %dma_wait3A_37 = arith.constant 0 : i32
      %dma_wait3A_38 = tpu.memref_slice %arg10[%add3A_11, %dma_wait3A_37] : memref<10240x160xbf16, #tpu.memory_space<vmem_shared>> -> memref<128x160xbf16, #tpu.memory_space<vmem_shared>>
      tpu.wait_dma2 semaphore(%run_scoped3A : memref<!tpu.dma_semaphore, #tpu.memory_space<semaphore_mem>>) src(%arg7 : memref<128x160xbf16, #tpu.memory_space<vmem>>) dst(%dma_wait3A_38 : memref<128x160xbf16, #tpu.memory_space<vmem_shared>>)
      tpu.yield
    }) : () -> ()
    %add3A_12 = arith.constant 384 : i32
    %add3A_13 = arith.addi %mul3A_6, %add3A_12 : i32
    "tpu.region"() ({
      %run_scoped3A = tpu.sem_alloc : memref<!tpu.dma_semaphore, #tpu.memory_space<semaphore_mem>>
      %dma_start3A = arith.constant 0 : i32
      %dma_start3A_33 = tpu.memref_slice %arg10[%add3A_13, %dma_start3A] : memref<10240x160xbf16, #tpu.memory_space<vmem_shared>> -> memref<128x160xbf16, #tpu.memory_space<vmem_shared>>
      %dma_start3A_34 = arith.constant 0 : i32
      %dma_start3A_35 = tpu.memref_slice %arg10[%add3A_13, %dma_start3A_34] : memref<10240x160xbf16, #tpu.memory_space<vmem_shared>> -> memref<128x160xbf16, #tpu.memory_space<vmem_shared>>
      tpu.enqueue_dma source(%arg7 : memref<128x160xbf16, #tpu.memory_space<vmem>>) target(%dma_start3A_35 : memref<128x160xbf16, #tpu.memory_space<vmem_shared>>) target_semaphore(%run_scoped3A : memref<!tpu.dma_semaphore, #tpu.memory_space<semaphore_mem>>)
      %dma_wait3A = arith.constant 0 : i32
      %dma_wait3A_36 = tpu.memref_slice %arg10[%add3A_13, %dma_wait3A] : memref<10240x160xbf16, #tpu.memory_space<vmem_shared>> -> memref<128x160xbf16, #tpu.memory_space<vmem_shared>>
      %dma_wait3A_37 = arith.constant 0 : i32
      %dma_wait3A_38 = tpu.memref_slice %arg10[%add3A_13, %dma_wait3A_37] : memref<10240x160xbf16, #tpu.memory_space<vmem_shared>> -> memref<128x160xbf16, #tpu.memory_space<vmem_shared>>
      tpu.wait_dma2 semaphore(%run_scoped3A : memref<!tpu.dma_semaphore, #tpu.memory_space<semaphore_mem>>) src(%arg7 : memref<128x160xbf16, #tpu.memory_space<vmem>>) dst(%dma_wait3A_38 : memref<128x160xbf16, #tpu.memory_space<vmem_shared>>)
      tpu.yield
    }) : () -> ()
    %add3A_14 = arith.constant 512 : i32
    %add3A_15 = arith.addi %mul3A_6, %add3A_14 : i32
    "tpu.region"() ({
      %run_scoped3A = tpu.sem_alloc : memref<!tpu.dma_semaphore, #tpu.memory_space<semaphore_mem>>
      %dma_start3A = arith.constant 0 : i32
      %dma_start3A_33 = tpu.memref_slice %arg10[%add3A_15, %dma_start3A] : memref<10240x160xbf16, #tpu.memory_space<vmem_shared>> -> memref<128x160xbf16, #tpu.memory_space<vmem_shared>>
      %dma_start3A_34 = arith.constant 0 : i32
      %dma_start3A_35 = tpu.memref_slice %arg10[%add3A_15, %dma_start3A_34] : memref<10240x160xbf16, #tpu.memory_space<vmem_shared>> -> memref<128x160xbf16, #tpu.memory_space<vmem_shared>>
      tpu.enqueue_dma source(%arg7 : memref<128x160xbf16, #tpu.memory_space<vmem>>) target(%dma_start3A_35 : memref<128x160xbf16, #tpu.memory_space<vmem_shared>>) target_semaphore(%run_scoped3A : memref<!tpu.dma_semaphore, #tpu.memory_space<semaphore_mem>>)
      %dma_wait3A = arith.constant 0 : i32
      %dma_wait3A_36 = tpu.memref_slice %arg10[%add3A_15, %dma_wait3A] : memref<10240x160xbf16, #tpu.memory_space<vmem_shared>> -> memref<128x160xbf16, #tpu.memory_space<vmem_shared>>
      %dma_wait3A_37 = arith.constant 0 : i32
      %dma_wait3A_38 = tpu.memref_slice %arg10[%add3A_15, %dma_wait3A_37] : memref<10240x160xbf16, #tpu.memory_space<vmem_shared>> -> memref<128x160xbf16, #tpu.memory_space<vmem_shared>>
      tpu.wait_dma2 semaphore(%run_scoped3A : memref<!tpu.dma_semaphore, #tpu.memory_space<semaphore_mem>>) src(%arg7 : memref<128x160xbf16, #tpu.memory_space<vmem>>) dst(%dma_wait3A_38 : memref<128x160xbf16, #tpu.memory_space<vmem_shared>>)
      tpu.yield
    }) : () -> ()
    %mul3A_16 = arith.constant 16 : i32
    %mul3A_17 = arith.muli %arg0, %mul3A_16 : i32
    %add3A_18 = arith.addi %mul3A_17, %arg1 : i32
    "tpu.region"() ({
      %run_scoped3A = tpu.sem_alloc : memref<!tpu.dma_semaphore, #tpu.memory_space<semaphore_mem>>
      %dma_start3A = arith.constant 0 : i32
      %dma_start3A_33 = arith.constant 0 : i32
      %dma_start3A_34 = tpu.memref_slice %arg3[%add3A_18, %dma_start3A, %dma_start3A_33] : memref<32x79x128xi32, #tpu.memory_space<hbm>> -> memref<1x79x128xi32, #tpu.memory_space<hbm>>
      %dma_start3A_35 = tpu.memref_squeeze %dma_start3A_34 : memref<1x79x128xi32, #tpu.memory_space<hbm>> -> memref<79x128xi32, #tpu.memory_space<hbm>>
      %dma_start3A_36 = arith.constant 0 : i32
      %dma_start3A_37 = arith.constant 0 : i32
      %dma_start3A_38 = tpu.memref_slice %arg3[%add3A_18, %dma_start3A_36, %dma_start3A_37] : memref<32x79x128xi32, #tpu.memory_space<hbm>> -> memref<1x79x128xi32, #tpu.memory_space<hbm>>
      %dma_start3A_39 = tpu.memref_squeeze %dma_start3A_38 : memref<1x79x128xi32, #tpu.memory_space<hbm>> -> memref<79x128xi32, #tpu.memory_space<hbm>>
      tpu.enqueue_dma source(%dma_start3A_39 : memref<79x128xi32, #tpu.memory_space<hbm>>) target(%arg8 : memref<79x128xi32, #tpu.memory_space<vmem>>) target_semaphore(%run_scoped3A : memref<!tpu.dma_semaphore, #tpu.memory_space<semaphore_mem>>)
      %dma_wait3A = arith.constant 0 : i32
      %dma_wait3A_40 = arith.constant 0 : i32
      %dma_wait3A_41 = tpu.memref_slice %arg3[%add3A_18, %dma_wait3A, %dma_wait3A_40] : memref<32x79x128xi32, #tpu.memory_space<hbm>> -> memref<1x79x128xi32, #tpu.memory_space<hbm>>
      %dma_wait3A_42 = tpu.memref_squeeze %dma_wait3A_41 : memref<1x79x128xi32, #tpu.memory_space<hbm>> -> memref<79x128xi32, #tpu.memory_space<hbm>>
      %dma_wait3A_43 = arith.constant 0 : i32
      %dma_wait3A_44 = arith.constant 0 : i32
      %dma_wait3A_45 = tpu.memref_slice %arg3[%add3A_18, %dma_wait3A_43, %dma_wait3A_44] : memref<32x79x128xi32, #tpu.memory_space<hbm>> -> memref<1x79x128xi32, #tpu.memory_space<hbm>>
      %dma_wait3A_46 = tpu.memref_squeeze %dma_wait3A_45 : memref<1x79x128xi32, #tpu.memory_space<hbm>> -> memref<79x128xi32, #tpu.memory_space<hbm>>
      tpu.wait_dma2 semaphore(%run_scoped3A : memref<!tpu.dma_semaphore, #tpu.memory_space<semaphore_mem>>) src(%dma_wait3A_46 : memref<79x128xi32, #tpu.memory_space<hbm>>) dst(%arg8 : memref<79x128xi32, #tpu.memory_space<vmem>>)
      tpu.yield
    }) : () -> ()
    "tpu.region"() ({
      %run_scoped3A = tpu.sem_alloc : memref<!tpu.dma_semaphore, #tpu.memory_space<semaphore_mem>>
      %dma_start3A = arith.constant 0 : i32
      %dma_start3A_33 = arith.constant 0 : i32
      %dma_start3A_34 = tpu.memref_slice %arg4[%add3A_18, %dma_start3A, %dma_start3A_33] : memref<32x79x128xi32, #tpu.memory_space<hbm>> -> memref<1x79x128xi32, #tpu.memory_space<hbm>>
      %dma_start3A_35 = tpu.memref_squeeze %dma_start3A_34 : memref<1x79x128xi32, #tpu.memory_space<hbm>> -> memref<79x128xi32, #tpu.memory_space<hbm>>
      %dma_start3A_36 = arith.constant 0 : i32
      %dma_start3A_37 = arith.constant 0 : i32
      %dma_start3A_38 = tpu.memref_slice %arg4[%add3A_18, %dma_start3A_36, %dma_start3A_37] : memref<32x79x128xi32, #tpu.memory_space<hbm>> -> memref<1x79x128xi32, #tpu.memory_space<hbm>>
      %dma_start3A_39 = tpu.memref_squeeze %dma_start3A_38 : memref<1x79x128xi32, #tpu.memory_space<hbm>> -> memref<79x128xi32, #tpu.memory_space<hbm>>
      tpu.enqueue_dma source(%dma_start3A_39 : memref<79x128xi32, #tpu.memory_space<hbm>>) target(%arg9 : memref<79x128xi32, #tpu.memory_space<vmem>>) target_semaphore(%run_scoped3A : memref<!tpu.dma_semaphore, #tpu.memory_space<semaphore_mem>>)
      %dma_wait3A = arith.constant 0 : i32
      %dma_wait3A_40 = arith.constant 0 : i32
      %dma_wait3A_41 = tpu.memref_slice %arg4[%add3A_18, %dma_wait3A, %dma_wait3A_40] : memref<32x79x128xi32, #tpu.memory_space<hbm>> -> memref<1x79x128xi32, #tpu.memory_space<hbm>>
      %dma_wait3A_42 = tpu.memref_squeeze %dma_wait3A_41 : memref<1x79x128xi32, #tpu.memory_space<hbm>> -> memref<79x128xi32, #tpu.memory_space<hbm>>
      %dma_wait3A_43 = arith.constant 0 : i32
      %dma_wait3A_44 = arith.constant 0 : i32
      %dma_wait3A_45 = tpu.memref_slice %arg4[%add3A_18, %dma_wait3A_43, %dma_wait3A_44] : memref<32x79x128xi32, #tpu.memory_space<hbm>> -> memref<1x79x128xi32, #tpu.memory_space<hbm>>
      %dma_wait3A_46 = tpu.memref_squeeze %dma_wait3A_45 : memref<1x79x128xi32, #tpu.memory_space<hbm>> -> memref<79x128xi32, #tpu.memory_space<hbm>>
      tpu.wait_dma2 semaphore(%run_scoped3A : memref<!tpu.dma_semaphore, #tpu.memory_space<semaphore_mem>>) src(%dma_wait3A_46 : memref<79x128xi32, #tpu.memory_space<hbm>>) dst(%arg9 : memref<79x128xi32, #tpu.memory_space<vmem>>)
      tpu.yield
    }) : () -> ()
    %barrier3A = arith.constant 0 : index
    tpu.barrier barrier_id(%barrier3A)
    %scan3A_19 = arith.constant 0 : i32
    %scan3A_20 = arith.constant 0 : i32
    %scan3A_21 = arith.constant 79 : i32
    %scan3A_22 = arith.addi %scan3A_20, %scan3A_21 : i32
    %scan3A_23 = arith.constant 1 : i32
    scf.for %scan3A_33 = %scan3A_20 to %scan3A_22 step %scan3A_23  : i32 {
      "tpu.region"() ({
        %run_scoped3A = tpu.sem_alloc : memref<!tpu.dma_semaphore, #tpu.memory_space<semaphore_mem>>
        %dma_start3A = arith.constant 0 : i32
        %dma_start3A_34 = tpu.memref_slice %arg8[%scan3A_33, %dma_start3A] : memref<79x128xi32, #tpu.memory_space<vmem>> -> memref<1x128xi32, #tpu.memory_space<vmem>>
        %dma_start3A_35 = tpu.memref_squeeze %dma_start3A_34 : memref<1x128xi32, #tpu.memory_space<vmem>> -> memref<128xi32, #tpu.memory_space<vmem>>
        %dma_start3A_36 = arith.constant 0 : i32
        %dma_start3A_37 = arith.constant 0 : i32
        %dma_start3A_38 = tpu.memref_slice %arg2[%dma_start3A_36, %dma_start3A_37] : memref<10000x160xbf16, #tpu.memory_space<hbm>> -> memref<10000x160xbf16, #tpu.memory_space<hbm>>
        tpu.enqueue_indirect_dma source(%dma_start3A_38 : memref<10000x160xbf16, #tpu.memory_space<hbm>>) target(%arg7 : memref<128x160xbf16, #tpu.memory_space<vmem>>) offsets(%dma_start3A_35 : memref<128xi32, #tpu.memory_space<vmem>>) semaphore(%run_scoped3A : memref<!tpu.dma_semaphore, #tpu.memory_space<semaphore_mem>>)
        %dma_wait3A = arith.constant 0 : i32
        %dma_wait3A_39 = tpu.memref_slice %arg8[%scan3A_33, %dma_wait3A] : memref<79x128xi32, #tpu.memory_space<vmem>> -> memref<1x128xi32, #tpu.memory_space<vmem>>
        %dma_wait3A_40 = tpu.memref_squeeze %dma_wait3A_39 : memref<1x128xi32, #tpu.memory_space<vmem>> -> memref<128xi32, #tpu.memory_space<vmem>>
        %dma_wait3A_41 = arith.constant 0 : i32
        %dma_wait3A_42 = arith.constant 0 : i32
        %dma_wait3A_43 = tpu.memref_slice %arg2[%dma_wait3A_41, %dma_wait3A_42] : memref<10000x160xbf16, #tpu.memory_space<hbm>> -> memref<10000x160xbf16, #tpu.memory_space<hbm>>
        tpu.wait_indirect_dma semaphore(%run_scoped3A : memref<!tpu.dma_semaphore, #tpu.memory_space<semaphore_mem>>) src(%dma_wait3A_43 : memref<10000x160xbf16, #tpu.memory_space<hbm>>) dst(%arg7 : memref<128x160xbf16, #tpu.memory_space<vmem>>)
        tpu.yield
      }) : () -> ()
      "tpu.region"() ({
        %run_scoped3A = tpu.sem_alloc : memref<!tpu.dma_semaphore, #tpu.memory_space<semaphore_mem>>
        %dma_start3A = arith.constant 0 : i32
        %dma_start3A_34 = tpu.memref_slice %arg9[%scan3A_33, %dma_start3A] : memref<79x128xi32, #tpu.memory_space<vmem>> -> memref<1x128xi32, #tpu.memory_space<vmem>>
        %dma_start3A_35 = tpu.memref_squeeze %dma_start3A_34 : memref<1x128xi32, #tpu.memory_space<vmem>> -> memref<128xi32, #tpu.memory_space<vmem>>
        %dma_start3A_36 = arith.constant 0 : i32
        %dma_start3A_37 = arith.constant 0 : i32
        %dma_start3A_38 = tpu.memref_slice %arg10[%dma_start3A_36, %dma_start3A_37] : memref<10240x160xbf16, #tpu.memory_space<vmem_shared>> -> memref<10240x160xbf16, #tpu.memory_space<vmem_shared>>
        tpu.enqueue_indirect_dma source(%arg7 : memref<128x160xbf16, #tpu.memory_space<vmem>>) target(%dma_start3A_38 : memref<10240x160xbf16, #tpu.memory_space<vmem_shared>>) offsets(%dma_start3A_35 : memref<128xi32, #tpu.memory_space<vmem>>) semaphore(%run_scoped3A : memref<!tpu.dma_semaphore, #tpu.memory_space<semaphore_mem>>) {add = true}
        %dma_wait3A = arith.constant 0 : i32
        %dma_wait3A_39 = tpu.memref_slice %arg9[%scan3A_33, %dma_wait3A] : memref<79x128xi32, #tpu.memory_space<vmem>> -> memref<1x128xi32, #tpu.memory_space<vmem>>
        %dma_wait3A_40 = tpu.memref_squeeze %dma_wait3A_39 : memref<1x128xi32, #tpu.memory_space<vmem>> -> memref<128xi32, #tpu.memory_space<vmem>>
        %dma_wait3A_41 = arith.constant 0 : i32
        %dma_wait3A_42 = arith.constant 0 : i32
        %dma_wait3A_43 = tpu.memref_slice %arg10[%dma_wait3A_41, %dma_wait3A_42] : memref<10240x160xbf16, #tpu.memory_space<vmem_shared>> -> memref<10240x160xbf16, #tpu.memory_space<vmem_shared>>
        tpu.wait_indirect_dma semaphore(%run_scoped3A : memref<!tpu.dma_semaphore, #tpu.memory_space<semaphore_mem>>) src(%arg7 : memref<128x160xbf16, #tpu.memory_space<vmem>>) dst(%dma_wait3A_43 : memref<10240x160xbf16, #tpu.memory_space<vmem_shared>>)
        tpu.yield
      }) : () -> ()
    }
    %scan3A_24 = arith.constant 79 : i32
    %barrier3A_25 = arith.constant 0 : index
    tpu.barrier barrier_id(%barrier3A_25)
    %eq3A = arith.constant 0 : i32
    %eq3A_26 = arith.cmpi eq, %arg0, %eq3A : i32
    %convert_element_type3A = arith.extui %eq3A_26 : i1 to i32
    %cond3A = arith.constant 0 : i32
    %cond3A_27 = arith.cmpi ne, %convert_element_type3A, %cond3A : i32
    scf.if %cond3A_27 {
      "tpu.region"() ({
        %run_scoped3A = tpu.sem_alloc : memref<!tpu.dma_semaphore, #tpu.memory_space<semaphore_mem>>
        %dma_start3A = arith.constant 0 : i32
        %dma_start3A_33 = tpu.memref_slice %arg5[%mul3A_6, %dma_start3A] : memref<10240x160xbf16, #tpu.memory_space<hbm>> -> memref<640x160xbf16, #tpu.memory_space<hbm>>
        %dma_start3A_34 = arith.constant 0 : i32
        %dma_start3A_35 = tpu.memref_slice %arg10[%mul3A_6, %dma_start3A_34] : memref<10240x160xbf16, #tpu.memory_space<vmem_shared>> -> memref<640x160xbf16, #tpu.memory_space<vmem_shared>>
        tpu.enqueue_dma source(%dma_start3A_35 : memref<640x160xbf16, #tpu.memory_space<vmem_shared>>) target(%dma_start3A_33 : memref<640x160xbf16, #tpu.memory_space<hbm>>) target_semaphore(%run_scoped3A : memref<!tpu.dma_semaphore, #tpu.memory_space<semaphore_mem>>)
        %dma_wait3A = arith.constant 0 : i32
        %dma_wait3A_36 = tpu.memref_slice %arg5[%mul3A_6, %dma_wait3A] : memref<10240x160xbf16, #tpu.memory_space<hbm>> -> memref<640x160xbf16, #tpu.memory_space<hbm>>
        %dma_wait3A_37 = arith.constant 0 : i32
        %dma_wait3A_38 = tpu.memref_slice %arg10[%mul3A_6, %dma_wait3A_37] : memref<10240x160xbf16, #tpu.memory_space<vmem_shared>> -> memref<640x160xbf16, #tpu.memory_space<vmem_shared>>
        tpu.wait_dma2 semaphore(%run_scoped3A : memref<!tpu.dma_semaphore, #tpu.memory_space<semaphore_mem>>) src(%dma_wait3A_38 : memref<640x160xbf16, #tpu.memory_space<vmem_shared>>) dst(%dma_wait3A_36 : memref<640x160xbf16, #tpu.memory_space<hbm>>)
        tpu.yield
      }) : () -> ()
    } else {
    }
    %eq3A_28 = arith.constant 1 : i32
    %eq3A_29 = arith.cmpi eq, %arg0, %eq3A_28 : i32
    %convert_element_type3A_30 = arith.extui %eq3A_29 : i1 to i32
    %cond3A_31 = arith.constant 0 : i32
    %cond3A_32 = arith.cmpi ne, %convert_element_type3A_30, %cond3A_31 : i32
    scf.if %cond3A_32 {
      "tpu.region"() ({
        %run_scoped3A = tpu.sem_alloc : memref<!tpu.dma_semaphore, #tpu.memory_space<semaphore_mem>>
        %dma_start3A = arith.constant 0 : i32
        %dma_start3A_33 = tpu.memref_slice %arg6[%mul3A_6, %dma_start3A] : memref<10240x160xbf16, #tpu.memory_space<hbm>> -> memref<640x160xbf16, #tpu.memory_space<hbm>>
        %dma_start3A_34 = arith.constant 0 : i32
        %dma_start3A_35 = tpu.memref_slice %arg10[%mul3A_6, %dma_start3A_34] : memref<10240x160xbf16, #tpu.memory_space<vmem_shared>> -> memref<640x160xbf16, #tpu.memory_space<vmem_shared>>
        tpu.enqueue_dma source(%dma_start3A_35 : memref<640x160xbf16, #tpu.memory_space<vmem_shared>>) target(%dma_start3A_33 : memref<640x160xbf16, #tpu.memory_space<hbm>>) target_semaphore(%run_scoped3A : memref<!tpu.dma_semaphore, #tpu.memory_space<semaphore_mem>>)
        %dma_wait3A = arith.constant 0 : i32
        %dma_wait3A_36 = tpu.memref_slice %arg6[%mul3A_6, %dma_wait3A] : memref<10240x160xbf16, #tpu.memory_space<hbm>> -> memref<640x160xbf16, #tpu.memory_space<hbm>>
        %dma_wait3A_37 = arith.constant 0 : i32
        %dma_wait3A_38 = tpu.memref_slice %arg10[%mul3A_6, %dma_wait3A_37] : memref<10240x160xbf16, #tpu.memory_space<vmem_shared>> -> memref<640x160xbf16, #tpu.memory_space<vmem_shared>>
        tpu.wait_dma2 semaphore(%run_scoped3A : memref<!tpu.dma_semaphore, #tpu.memory_space<semaphore_mem>>) src(%dma_wait3A_38 : memref<640x160xbf16, #tpu.memory_space<vmem_shared>>) dst(%dma_wait3A_36 : memref<640x160xbf16, #tpu.memory_space<hbm>>)
        tpu.yield
      }) : () -> ()
    } else {
    }
    return
  }
}

module attributes {stable_mosaic.version = 14 : i64} {
  func.func @body(%arg0: i32, %arg1: memref<1000x128xf32, #tpu.memory_space<vmem>>, %arg2: memref<1000x160xbf16, #tpu.memory_space<vmem>>, %arg3: memref<1000x160xbf16, #tpu.memory_space<vmem>>, %arg4: memref<1000x128xf32, #tpu.memory_space<vmem>>) attributes {dimension_semantics = [#tpu.dimension_semantics<arbitrary>], iteration_bounds = array<i64: 10>, scalar_prefetch = 0 : i64, scratch_operands = 0 : i64, tpu.core_type = #tpu.core_type<tc>, window_params = [{transform_indices = @transform_0, window_bounds = array<i64: 1000, 128>}, {transform_indices = @transform_1, window_bounds = array<i64: 1000, 160>}, {transform_indices = @transform_2, window_bounds = array<i64: 1000, 160>}, {transform_indices = @transform_3, window_bounds = array<i64: 1000, 128>}]} {
    %get3A = arith.constant 0 : index
    %get3A_0 = arith.constant 0 : index
    %get3A_1 = vector.load %arg2[%get3A, %get3A_0] : memref<1000x160xbf16, #tpu.memory_space<vmem>>, vector<1000x160xbf16>
    %convert_element_type3A = arith.extf %get3A_1 : vector<1000x160xbf16> to vector<1000x160xf32>
    %get3A_2 = arith.constant 0 : index
    %get3A_3 = arith.constant 0 : index
    %get3A_4 = vector.load %arg3[%get3A_2, %get3A_3] : memref<1000x160xbf16, #tpu.memory_space<vmem>>, vector<1000x160xbf16>
    %convert_element_type3A_5 = arith.extf %get3A_4 : vector<1000x160xbf16> to vector<1000x160xf32>
    %slice3A = vector.extract_strided_slice %convert_element_type3A {offsets = [0, 0], sizes = [1000, 128], strides = [1, 1]} : vector<1000x160xf32> to vector<1000x128xf32>
    %slice3A_6 = vector.extract_strided_slice %convert_element_type3A_5 {offsets = [0, 0], sizes = [1000, 128], strides = [1, 1]} : vector<1000x160xf32> to vector<1000x128xf32>
    %add3A = arith.addf %slice3A, %slice3A_6 : vector<1000x128xf32>
    %slice3A_7 = vector.extract_strided_slice %convert_element_type3A {offsets = [0, 128], sizes = [1000, 1], strides = [1, 1]} : vector<1000x160xf32> to vector<1000x1xf32>
    %slice3A_8 = vector.extract_strided_slice %convert_element_type3A_5 {offsets = [0, 128], sizes = [1000, 1], strides = [1, 1]} : vector<1000x160xf32> to vector<1000x1xf32>
    %add3A_9 = arith.addf %slice3A_7, %slice3A_8 : vector<1000x1xf32>
    %max3A = arith.constant 1.000000e+00 : f32
    %max3A_10 = vector.broadcast %max3A : f32 to vector<1000x1xf32>
    %max3A_11 = arith.maximumf %add3A_9, %max3A_10 : vector<1000x1xf32>
    %get3A_12 = arith.constant 0 : index
    %get3A_13 = arith.constant 0 : index
    %get3A_14 = vector.load %arg1[%get3A_12, %get3A_13] : memref<1000x128xf32, #tpu.memory_space<vmem>>, vector<1000x128xf32>
    %div3A = vector.broadcast %max3A_11 : vector<1000x1xf32> to vector<1000x128xf32>
    %div3A_15 = arith.divf %add3A, %div3A : vector<1000x128xf32>
    %add3A_16 = arith.addf %get3A_14, %div3A_15 : vector<1000x128xf32>
    %mul3A = arith.constant 5.000000e-01 : f32
    %mul3A_17 = vector.broadcast %mul3A : f32 to vector<1000x128xf32>
    %mul3A_18 = arith.mulf %mul3A_17, %add3A_16 : vector<1000x128xf32>
    %swap3A = arith.constant 0 : index
    %swap3A_19 = arith.constant 0 : index
    %swap3A_20 = vector.load %arg4[%swap3A, %swap3A_19] : memref<1000x128xf32, #tpu.memory_space<vmem>>, vector<1000x128xf32>
    tpu.vector_store %arg4[%swap3A, %swap3A_19], %mul3A_18 {strides = array<i32>} : memref<1000x128xf32, #tpu.memory_space<vmem>>, vector<1000x128xf32>,
    return
  }
  func.func @transform_0(%arg0: i32) -> (i32, i32) {
    %c0_i32 = arith.constant 0 : i32
    %c0_i32_0 = arith.constant 0 : i32
    return %arg0, %c0_i32 : i32, i32
  }
  func.func @transform_1(%arg0: i32) -> (i32, i32) {
    %c0_i32 = arith.constant 0 : i32
    %c0_i32_0 = arith.constant 0 : i32
    return %arg0, %c0_i32 : i32, i32
  }
  func.func @transform_2(%arg0: i32) -> (i32, i32) {
    %c0_i32 = arith.constant 0 : i32
    %c0_i32_0 = arith.constant 0 : i32
    return %arg0, %c0_i32 : i32, i32
  }
  func.func @transform_3(%arg0: i32) -> (i32, i32) {
    %c0_i32 = arith.constant 0 : i32
    %c0_i32_0 = arith.constant 0 : i32
    return %arg0, %c0_i32 : i32, i32
  }
}

</mosaic_0001>

<sc_bundles>
// kernel: kernel.4.cloned.1.call-start
scs
__scs_entry_jumppad:
0x0: {  	(pc) =	sbr.rel $0x88, $3  }
0x1: {  	(tag) =	ssettag $0x0;
	lr =	simm.s32 $0x1  }
0x2: {  	[smem:$0x3F9F] =	sst lr;
	_ =	strace $0xD0000000  }
0x3: {  	_ = 	snop  }
0x4: {  	_ = 	snop  }
0x5: {  	_ = 	snop  }
0x6: {  	_ = 	snop  }
0x7: {  	_ = 	snop  }
__scs_overlays_trampoline_lowered:
0x8: {  	[smem:$0x3FAE] =	sst s0  }
0x9: {  	[smem:$0x3FAF] =	sst s1  }
0xa: {  	[smem:$0x3FB0] =	sst s2  }
0xb: {  	[smem:$0x3FB1] =	sst s3  }
0xc: {  	[smem:$0x3FB2] =	sst s4  }
0xd: {  	[smem:$0x3FB3] =	sst s5  }
0xe: {  	[smem:$0x3FB4] =	sst s6  }
0xf: {  	[smem:$0x3FB5] =	sst s7  }
0x10: {  	[smem:$0x3FB6] =	sst s8  }
0x11: {  	[smem:$0x3FB7] =	sst s9;
	s0 =	simm.s32 @!p0 $0x0  }
0x12: {  	s1 =	sld [smem:$0x3F9D];
	s0 =	simm.s32 @p0 $0x1  }
0x13: {  	[smem:$0x3FB8] =	sst s0;
	s0 =	simm.s32 @!p1 $0x0  }
0x14: {  	s2 =	sld [smem:$0x3F9C];
	s0 =	simm.s32 @p1 $0x1  }
0x15: {  	[smem:$0x3FB9] =	sst s0;
	s0 =	simm.s32 @!p2 $0x0  }
0x16: {  	s3 =	sld [smem:$0x3FDB];
	s0 =	simm.s32 @p2 $0x1  }
0x17: {  	s4 =	simm.s32 $0x1BF5;
	[smem:$0x3FBB] =	sst s0  }
0x18: {  	s0 =	sld [smem:$0x3F9E];
	_ =	swait.ge [sflag:s4], $0x0  }
0x19: {  	s7 =	sld [smem:$0x3F9F]  }
0x1a: {  	s8 =	sadd.s32 $0xFFFFE003, lr  }
0x1b: {  	s9 =	sadd.s32 $0xFFFFFEF7, lr;
	s5 =	simm.s32 $0xFFFFFFFF;
	p2 =	slt.u32 s8, $0xFFFFF086  }
0x1c: {  	p1 =	slt.u32 s9, $0xF7A;
	s5 =	simm.s32 @!p2 $0x0  }
0x1d: {  	s5 =	simm.s32 @p1 $0x1;
	p0 =	seq.s32 s7, s2  }
0x1e: {  	s7 =	smul.u32 @!p0 $0xF7A, s2;
	p2 =	seq.s32 @!p0 s5, $0x0  }
0x1f: {  	s9 =	smul.u32 $0xF7A, s1;
	s8 =	simm.s32 @!p0 $0x1BF5;
	p2 =	por !p2, p0  }
0x20: {  	[sflag:s8] =	ssyncset.s32 @!p0 $0xFFFFF086;
	s6 =	sadd.s32 @!p0 s3, s7;
	s7 =	simm.s32 @!p0 $0x108  }
0x21: {  	s3 =	sadd.s32 s3, s9;
	s6 =	sadd.s32 @!p0 $0x88, s6;
	s7 =	simm.s32 @p2 $0x1082  }
0x22: {  	[simem:s7], [sflag:s8] =	dma.local @!p0 [hbm:s6], $0xF7A  }
0x23: {  	s9 =	sor.u32 $0xD0000000, s2;
	s6 =	simm.s32 $0x108;
	_ =	swait.ge @!p0 [sflag:s8], $0x0  }
0x24: {  	s3 =	sadd.s32 $0x88, s3;
	s6 =	simm.s32 @!p1 $0x1082;
	[sflag:s4] =	ssyncset.s32 $0xFFFFF086  }
0x25: {  	[simem:s6], [sflag:s4] =	dma.local [hbm:s3], $0xF7A  }
0x26: {  	[smem:$0x3F9F] =	sst s1;
	(tag) =	ssettag s2;
	_ =	strace s9  }
0x27: {  	s1 =	sld [smem:$0x3FAF]  }
0x28: {  	s2 =	sld [smem:$0x3FB0]  }
0x29: {  	s4 =	sld [smem:$0x3FB2]  }
0x2a: {  	p0 =	seq.s32 s5, $0x0;
	s5 =	sld [smem:$0x3FB3]  }
0x2b: {  	s6 =	sld [smem:$0x3FB4]  }
0x2c: {  	s7 =	sld [smem:$0x3FB5]  }
0x2d: {  	s3 =	simm.s32 $0x108;
	s8 =	sld [smem:$0x3FB6]  }
0x2e: {  	s3 =	simm.s32 @!p0 $0x1082;
	s9 =	sld [smem:$0x3FB7]  }
0x2f: {  	lr =	sadd.s32 s0, s3;
	s0 =	sld [smem:$0x3FAE]  }
0x30: {  	s3 =	sld [smem:$0x3FB1]  }
0x31: {  	[smem:$0x3FBA] =	sst s10  }
0x32: {  	s10 =	sld [smem:$0x3FB8];
	_ =	sdelay $0x3  }
0x33: {  	p0 =	seq.s32 s10, $0x1;
	s10 =	sld [smem:$0x3FBA];
	_ =	sdelay $0x3  }
0x34: {  	[smem:$0x3FBA] =	sst s10  }
0x35: {  	s10 =	sld [smem:$0x3FB9];
	_ =	sdelay $0x3  }
0x36: {  	p1 =	seq.s32 s10, $0x1;
	s10 =	sld [smem:$0x3FBA];
	_ =	sdelay $0x3  }
0x37: {  	[smem:$0x3FBA] =	sst s10  }
0x38: {  	s10 =	sld [smem:$0x3FBB]  }
0x39: {  	_ = 	snop;
	(pc) =	sbr.ind lr, $3  }
0x3a: {  	_ = 	snop  }
0x3b: {  	_ = 	snop  }
0x3c: {  	p2 =	seq.s32 s10, $0x1;
	s10 =	sld [smem:$0x3FBA]  }
0x3d: {  	_ =	shalt  }
0x3e: {  	_ =	shalt  }
0x3f: {  	_ =	shalt  }
0x40: {  	_ =	shalt  }
0x41: {  	_ =	shalt  }
0x42: {  	_ =	shalt  }
0x43: {  	_ =	shalt  }
0x44: {  	_ =	shalt  }
0x45: {  	_ =	shalt  }
0x46: {  	_ =	shalt  }
0x47: {  	_ =	shalt  }
0x48: {  	_ =	shalt  }
0x49: {  	_ =	shalt  }
0x4a: {  	_ =	shalt  }
0x4b: {  	_ =	shalt  }
0x4c: {  	_ =	shalt  }
0x4d: {  	_ =	shalt  }
0x4e: {  	_ =	shalt  }
0x4f: {  	_ =	shalt  }
0x50: {  	_ =	shalt  }
0x51: {  	_ =	shalt  }
0x52: {  	_ =	shalt  }
0x53: {  	_ =	shalt  }
0x54: {  	_ =	shalt  }
0x55: {  	_ =	shalt  }
0x56: {  	_ =	shalt  }
0x57: {  	_ =	shalt  }
0x58: {  	_ =	shalt  }
0x59: {  	_ =	shalt  }
0x5a: {  	_ =	shalt  }
0x5b: {  	_ =	shalt  }
0x5c: {  	_ =	shalt  }
0x5d: {  	_ =	shalt  }
0x5e: {  	_ =	shalt  }
0x5f: {  	_ =	shalt  }
0x60: {  	_ =	shalt  }
0x61: {  	_ =	shalt  }
0x62: {  	_ =	shalt  }
0x63: {  	_ =	shalt  }
0x64: {  	_ =	shalt  }
0x65: {  	_ =	shalt  }
0x66: {  	_ =	shalt  }
0x67: {  	_ =	shalt  }
0x68: {  	_ =	shalt  }
0x69: {  	_ =	shalt  }
0x6a: {  	_ =	shalt  }
0x6b: {  	_ =	shalt  }
0x6c: {  	_ =	shalt  }
0x6d: {  	_ =	shalt  }
0x6e: {  	_ =	shalt  }
0x6f: {  	_ =	shalt  }
0x70: {  	_ =	shalt  }
0x71: {  	_ =	shalt  }
0x72: {  	_ =	shalt  }
0x73: {  	_ =	shalt  }
0x74: {  	_ =	shalt  }
0x75: {  	_ =	shalt  }
0x76: {  	_ =	shalt  }
0x77: {  	_ =	shalt  }
0x78: {  	_ =	shalt  }
0x79: {  	_ =	shalt  }
0x7a: {  	_ =	shalt  }
0x7b: {  	_ =	shalt  }
0x7c: {  	_ =	shalt  }
0x7d: {  	_ =	shalt  }
0x7e: {  	_ =	shalt  }
0x7f: {  	_ =	shalt  }
0x80: {  	_ =	shalt  }
0x81: {  	_ =	shalt  }
0x82: {  	_ =	shalt  }
0x83: {  	_ =	shalt  }
0x84: {  	_ =	shalt  }
0x85: {  	_ =	shalt  }
0x86: {  	_ =	shalt  }
0x87: {  	_ =	shalt  }
.Lfunc_end0:
.L_simem_size_0:
called_computation_lowered:
.L_overlay_start_0:
0x88: {  	s2 =	sld [smem:$0x3FD9]  }
0x89: {  	s3 =	sld [smem:$0x3FFE];
	_ =	sdelay $0x1  }
0x8a: {  	s1 =	srdreg.scid  }
0x8b: {  	s0 =	sand.u32 $0x1, s1  }
0x8c: {  	s17 =	sshll.u32 s0, $0xA;
	s2 =	sadd.s32 s3, s2  }
0x8d: {  	s2 =	sadd.s32 s2, s17  }
0x8e: {  	[smem:$0x3FC6] =	sst s2  }
0x8f: {  	_ = 	snop  }
0x90: {  	s2 =	sld [smem:$0x3FD0];
	(tm) =	ssettm $0x1  }
0x91: {  	s18 =	sld [smem:$0x3FFB];
	_ =	sdelay $0x3  }
0x92: {  	_ =	strace s18  }
0x93: {  	s3 =	sld [smem:$0x3FFC];
	_ =	sdelay $0x3  }
0x94: {  	_ =	strace s3  }
0x95: {  	s3 =	sld [smem:$0x3FFD];
	_ =	sdelay $0x3  }
0x96: {  	_ =	strace s3  }
0x97: {  	_ =	strace $0x8FFFFFFF  }
0x98: {  	s19 =	sld [smem:$0x3FDB];
	_ =	sdelay $0x1  }
0x99: {  	s4 =	simm.s32 $_scs_section_size  }
0x9a: {  	s5 =	simm.s32 $_size__tile_overlayer_lowered;
	s6 =	simm.s32 $_tile_overlayer_lowered  }
0x9b: {  	s22 =	simm.s32 $0x1BFF;
	s21 =	sshll.u32 s6, $0x1;
	s3 =	sadd.s32 s4, s19  }
0x9c: {  	s7 =	simm.s32 $0x0;
	s20 =	sshll.u32 s5, $0x1;
	s5 =	sadd.s32 s21, s3  }
0x9d: {  	[timem:s7], [sflag:s22] =	dma.local [hbm:s5], s20  }
0x9e: {  	_ =	swait.ge [sflag:s22], s20  }
0x9f: {  	s4 =	ssub.s32 $0x0, s20;
	[sflag:s22] =	ssyncset.done $0x0  }
0xa0: {  	[sflag:s22] =	ssyncadd.s32 s4;
	_ =	sdelay $0x1  }
0xa1: {  	s23 =	simm.s32 $0x1B8B  }
0xa2: {  	_ =	swait.ge [sflag:s23], $0x1  }
0xa3: {  	[sflag:s23] =	ssyncset.done $0x0  }
0xa4: {  	s25 =	simm.s32 $0x1B8E;
	s24 =	sld [smem:$0x3FFE];
	[sflag:s23] =	ssyncadd.s32 $0xFFFFFFFF  }
0xa5: {  	s26 =	simm.s32 $execute0_lowered;
	[smem:$0x3FD2] =	sst s25  }
0xa6: {  	s5 =	sshll.u32 s26, $0x1;
	_ =	strace $0x80000046;
	[dreg:$0x1] =	wrdreg $0xFFFFFFFF  }
0xa7: {  	s28 =	simm.s32 $_size_execute0_lowered;
	s3 =	sadd.s32 s3, s5;
	[dreg:$0x0] =	wrdreg $0x0  }
0xa8: {  	s5 =	sshll.u32 s28, $0x1;
	[dreg:$0x2] =	wrdreg s3  }
0xa9: {  	[dreg:$0x3] =	wrdreg s5  }
0xaa: {  	[dreg:$0x4] =	wrdreg $0xC0  }
0xab: {  	_ =	task [dreg:s7], $0x5FFFF  }
0xac: {  	[dreg:$0x1] =	wrdreg $0xFFFFFFFF  }
0xad: {  	[dreg:$0x0] =	wrdreg $0x60  }
0xae: {  	[dreg:$0x2] =	wrdreg s24  }
0xaf: {  	[dreg:$0x3] =	wrdreg s2  }
0xb0: {  	[dreg:$0x4] =	wrdreg $0x77000  }
0xb1: {  	[dreg:$0x5] =	wrdreg $0x9  }
0xb2: {  	_ =	task.clear_ibuf [dreg:s7], $0x6FFFF;
	_ =	strace $0x90000046  }
0xb3: {  	s29 =	simm.s32 $0x9;
	_ =	strace $0x80000048  }
0xb4: {  	_ =	swait.ge [sflag:s29], $0x1  }
0xb5: {  	[sflag:s29] =	ssyncadd.s32 $0xFFFFFFFF  }
0xb6: {  	_ =	strace $0x90000048  }
0xb7: {  	_ =	sfence  }
0xb8: {  	s30 =	sld [smem:$0x0];
	_ =	sdelay $0x2  }
0xb9: {  	s31 =	sshll.u32 s1, $0xD;
	s1 =	sshrl.u32 s1, $0x2  }
0xba: {  	s3 =	sand.u32 $0x4000, s31;
	s1 =	sadd.s32 s1, s30  }
0xbb: {  	s0 =	sor.u32 s3, s0;
	s1 =	sshll.u32 s1, $0x11  }
0xbc: {  	s0 =	sor.u32 s1, s0  }
0xbd: {  	s0 =	sadd.s32 $0x8F2B, s0  }
0xbe: {  	[sflag:s0] =	ssyncadd.remote.s32 $0x1  }
0xbf: {  	_ =	sfence.sel $0xFFFF  }
0xc0: {  	[dreg:$0x0] =	wrdreg $0xFFFFFFFF;
	(pc) =	sbr.abs _section_cstart, $3  }
0xc1: {  	[dreg:$0x1] =	wrdreg $0xFFFFFFFF  }
0xc2: {  	_ =	task.clear_ibuf [dreg:s7], $0x2FFFF;
	_ =	strace $0x9FFFFFFF  }
0xc3: {  	(tm) =	ssettm $0x7FFFFFFF  }
tec
execute0_lowered:
.L_overlay_start_1:
0x0: {  	(tag) =	ssettag $0x1  }
0x1: {  	s5 =	rddreg [dreg:$0x0]  }
0x2: {  	s13 =	rddreg [dreg:$0x1]  }
0x3: {  	s0 =	srdreg.scid;
	s2 =	rddreg [dreg:$0x2]  }
0x4: {  	s3 =	simm.s32 $0x0;
	s17 =	simm.s32 $0x80;
	s19 =	simm.s32 $0x0  }
0x5: {  	s11 =	sand.u32 $0x1, s0;
	s0 =	stileid.u32;
	[smem:$0x7FF] =	sst s3  }
0x6: {  	s15 =	sadd.s32 $0x2D000, s5;
	s1 =	sshll.u32 s11, $0x4;
	s12 =	smul.u32 $0x19000, s0  }
0x7: {  	s7 =	smul.u32 $0x32000, s0;
	s29 =	ssub.s32 $0x2, s11;
	p0 =	seq.s32 s11, $0x1  }
0x8: {  	s18 =	sshll.u32 s0, $0x6;
	s4 =	sor.u32 s0, s1;
	s1 =	rddreg [dreg:$0x3]  }
0x9: {  	_ =	strace $0x80000047;
	s30 =	sshrl.u32 s29, $0x1;
	s13 =	smov.u32 @p0 s15  }
0xa: {  	s15 =	simm.s32 $0x2800;
	s18 =	sor.u32 $0x1C01, s18;
	s6 =	smul.u32 $0x4F0, s4  }
0xb: {  	s4 =	sadd.s32 $0xC00, s5;
	s8 =	sshrl.u32 s12, $0x1;
	s7 =	sshrl.u32 s7, $0x2  }
0xc: {  	s16 =	ssub.s32 s29, s30;
	s31 =	sshrl.u32 s12, $0x4;
	s9 =	sadd.s32 s7, s2  }
0xd: {  	s12 =	smax.u32 s16, $0x1;
	s13 =	sadd.s32 s13, s31;
	s16 =	simm.s32 $0x4F80  }
0xe: {  	s14 =	sadd.s32 s6, s5;
	s5 =	sadd.s32 s8, s2;
	s6 =	sadd.s32 $0x2800, s9  }
0xf: {  	s7 =	sadd.s32 $0x5000, s9;
	s8 =	sadd.s32 $0x7800, s9;
	s9 =	sadd.s32 $0xA000, s9  }
0x10: {  	v0 =	vimm.bf16 $0.0e+00;
	s10 =	sadd.s32 $0x23200, s14;
	s11 =	sadd.s32 $0x19400, s14;
	s14 =	simm.s32 $0x1  }
.LBB2_1:
0x11: {  	s21 =	simm.s32 $0x140;
	s20 =	simm.s32 $0x0  }
.LBB2_2:
0x12: {  	p0 =	sne.s32 s21, $0x9EC0;
	[tilespmem:s20+$0x40] =	vst v0;
	s22 =	smov.u32 s21;
	s21 =	sadd.s32 $0x140, s21  }
.Ltmp0:
0x13: {  	[tilespmem:s20+$0x30] =	vst v0;
	(pc) =	sbr.rel @p0 .LBB2_2-.Ltmp0, $4  }
0x14: {  	[tilespmem:s20+$0x20] =	vst v0  }
0x15: {  	[tilespmem:s20+$0x0] =	vst v0  }
0x16: {  	[tilespmem:s20+$0x10] =	vst v0  }
0x17: {  	s20 =	sshra.s32 s22, $0x2  }
0x18: {  	[tilespmem:s20+$0x40] =	vst v0  }
0x19: {  	[tilespmem:s20+$0x30] =	vst v0  }
0x1a: {  	[tilespmem:s20+$0x20] =	vst v0  }
0x1b: {  	[tilespmem:s20+$0x0] =	vst v0  }
0x1c: {  	[tilespmem:s20+$0x10] =	vst v0;
	s29 =	simm.s32 $0x0  }
0x1d: {  	[spmem:s5] =	stream.linear.scatter [tilespmem:s29], [sflag:$0x1], $0x2800, $0x38;
	[tilespmem:$0x13F00] =	vst v63  }
0x1e: {  	_ =	swait.ge [sflag:s14], $0x2800  }
0x1f: {  	[sflag:s14] =	ssyncset.done $0x0  }
0x20: {  	[sflag:s14] =	ssyncadd.s32 $0xFFFFD800  }
0x21: {  	[spmem:s6] =	stream.linear.scatter [tilespmem:s29], [sflag:$0x1], $0x2800, $0x38;
	[tilespmem:$0x13F00] =	vst v63  }
0x22: {  	_ =	swait.ge [sflag:s14], $0x2800  }
0x23: {  	[sflag:s14] =	ssyncset.done $0x0  }
0x24: {  	[sflag:s14] =	ssyncadd.s32 $0xFFFFD800  }
0x25: {  	[spmem:s7] =	stream.linear.scatter [tilespmem:s29], [sflag:$0x1], $0x2800, $0x38;
	[tilespmem:$0x13F00] =	vst v63  }
0x26: {  	_ =	swait.ge [sflag:s14], $0x2800  }
0x27: {  	[sflag:s14] =	ssyncset.done $0x0  }
0x28: {  	[sflag:s14] =	ssyncadd.s32 $0xFFFFD800  }
0x29: {  	[spmem:s8] =	stream.linear.scatter [tilespmem:s29], [sflag:$0x1], $0x2800, $0x38;
	[tilespmem:$0x13F00] =	vst v63  }
0x2a: {  	_ =	swait.ge [sflag:s14], $0x2800  }
0x2b: {  	[sflag:s14] =	ssyncset.done $0x0  }
0x2c: {  	[sflag:s14] =	ssyncadd.s32 $0xFFFFD800  }
0x2d: {  	[spmem:s9] =	stream.linear.scatter [tilespmem:s29], [sflag:$0x1], $0x2800, $0x38;
	[tilespmem:$0x13F00] =	vst v63  }
0x2e: {  	_ =	swait.ge [sflag:s14], $0x2800  }
0x2f: {  	[sflag:s14] =	ssyncset.done $0x0  }
0x30: {  	[sflag:s14] =	ssyncadd.s32 $0xFFFFD800  }
0x31: {  	[tilespmem:s15], [sflag:$0x1] =	stream.linear.gather [hbm4b:s10+s29], $0x2780, $0x38;
	[tilespmem:$0x13F00] =	vst v63  }
0x32: {  	_ =	swait.ge [sflag:s14], $0x2780  }
0x33: {  	[sflag:s14] =	ssyncset.done $0x0  }
0x34: {  	[sflag:s14] =	ssyncadd.s32 $0xFFFFD880  }
0x35: {  	[tilespmem:s16], [sflag:$0x1] =	stream.linear.gather [hbm4b:s11+s29], $0x2780, $0x38;
	[tilespmem:$0x13F00] =	vst v63  }
0x36: {  	_ =	swait.ge [sflag:s14], $0x2780  }
0x37: {  	[sflag:s14] =	ssyncset.done $0x0  }
0x38: {  	[sflag:s14] =	ssyncadd.s32 $0xFFFFD880  }
0x39: {  	s30 =	simm.s32 $0x2800;
	[bflag:$0x0] =	sbarrier.arrive $0xFFFF  }
0x3a: {  	[tilespmem:s3], [sflag:$0x1] =	stream.indirect.gather [hbm4b:s4+s17], $0x50, s30, s17, $0xb8;
	[tilespmem:$0x13F00] =	vst v63  }
0x3b: {  	_ =	swait.ge [sflag:s14], $0x2800  }
0x3c: {  	[sflag:s14] =	ssyncset.done $0x0  }
0x3d: {  	s31 =	simm.s32 $0x4F80;
	[sflag:s14] =	ssyncadd.s32 $0xFFFFD800  }
0x3e: {  	[spmem:s2] =	stream.indirect.scatter.add.bf16 [tilespmem:s3], [sflag:$0x1], $0x50, s31, s17, $0xb8;
	[tilespmem:$0x13F00] =	vst v63  }
0x3f: {  	_ =	swait.ge [sflag:s14], $0x2800  }
0x40: {  	s21 =	simm.s32 $0x400;
	s20 =	simm.s32 $0x80;
	[sflag:s14] =	ssyncset.done $0x0  }
.LBB2_4:
0x41: {  	s22 =	sadd.s32 $0x2800, s20  }
0x42: {  	[sflag:s14] =	ssyncadd.s32 $0xFFFFD800;
	s23 =	smov.u32 s21;
	s24 =	sadd.s32 $0x200, s21  }
0x43: {  	[tilespmem:s3], [sflag:$0x1] =	stream.indirect.gather [hbm4b:s4+s17], $0x50, s22, s17, $0xb8;
	[tilespmem:$0x13F00] =	vst v63  }
0x44: {  	p0 =	sne.s32 s21, $0x9C00;
	_ =	swait.ge [sflag:s14], $0x2800  }
.Ltmp1:
0x45: {  	[sflag:s14] =	ssyncset.done $0x0;
	(pc) =	sbr.rel @p0 .LBB2_4-.Ltmp1, $4  }
0x46: {  	s20 =	sadd.s32 $0x4F80, s20;
	[sflag:s14] =	ssyncadd.s32 $0xFFFFD800  }
0x47: {  	[spmem:s2] =	stream.indirect.scatter.add.bf16 [tilespmem:s3], [sflag:$0x1], $0x50, s20, s17, $0xb8;
	[tilespmem:$0x13F00] =	vst v63  }
0x48: {  	_ =	swait.ge [sflag:s14], $0x2800  }
0x49: {  	s21 =	smov.u32 s24;
	s20 =	sshra.s32 s23, $0x2;
	[sflag:s14] =	ssyncset.done $0x0  }
0x4a: {  	s21 =	sadd.s32 $0x2800, s20;
	[sflag:s14] =	ssyncadd.s32 $0xFFFFD800  }
0x4b: {  	[tilespmem:s3], [sflag:$0x1] =	stream.indirect.gather [hbm4b:s4+s17], $0x50, s21, s17, $0xb8;
	[tilespmem:$0x13F00] =	vst v63  }
0x4c: {  	_ =	swait.ge [sflag:s14], $0x2800  }
0x4d: {  	[sflag:s14] =	ssyncset.done $0x0  }
0x4e: {  	s30 =	sadd.s32 $0x4F80, s20;
	[sflag:s14] =	ssyncadd.s32 $0xFFFFD800  }
0x4f: {  	[spmem:s2] =	stream.indirect.scatter.add.bf16 [tilespmem:s3], [sflag:$0x1], $0x50, s30, s17, $0xb8;
	[tilespmem:$0x13F00] =	vst v63  }
0x50: {  	_ =	swait.ge [sflag:s14], $0x2800  }
0x51: {  	s19 =	sadd.s32 $0x1, s19;
	[sflag:s14] =	ssyncset.done $0x0  }
0x52: {  	p0 =	sne.s32 s19, s12;
	[sflag:s14] =	ssyncadd.s32 $0xFFFFD800  }
.Ltmp2:
0x53: {  	s31 =	sshrl.u32 s5, $0x3;
	[bflag:$0x0] =	sbarrier.arrive $0xFFFF;
	(pc) =	sbr.rel @p0 .LBB2_1-.Ltmp2, $4  }
0x54: {  	[hbm:s13], [sflag:s18] =	dma.local [spmem:s31], $0x1900  }
0x55: {  	_ =	swait.ge [sflag:s14], $0x1900  }
0x56: {  	[sflag:s14] =	ssyncset.done $0x0  }
0x57: {  	[sflag:s14] =	ssyncadd.s32 $0xFFFFE700  }
0x58: {  	_ =	sfence.sel $0x180000  }
0x59: {  	[bflag:$0x0] =	sbarrier.arrive $0xFFFF  }
0x5a: {  	p0 =	sne.s32 s0, $0x0;
	_ =	strace $0x90000047  }
0x5b: {  	s0 =	sadd.s32 @!p0 $0x100000, s1;
	[bflag:$0x2] =	sbarrier.arrive $0xFFFF  }
0x5c: {  	[sflag:s0] =	ssyncadd.tile.s32 @!p0 $0x1;
	_ =	shalt  }
.Lfunc_end2:
_tile_overlayer_lowered:
.L_overlay_start_2:
0x5d: {  	(tag) =	ssettag $0x2  }
0x5e: {  	s0 =	rddreg [dreg:$0x0];
	s2 =	stileid.u32  }
0x5f: {  	s1 =	rddreg [dreg:$0x1];
	p0 =	sne.s32 s2, $0x0  }
0x60: {  	s3 =	rddreg [dreg:$0x2];
	[bflag:$0x3] =	sbarrier.arrive $0xFFFF;
	s2 =	simm.s32 @!p0 $0x1C01  }
0x61: {  	[timem:s3], [sflag:s2] =	dma.local @!p0 [hbm:s0], s1  }
0x62: {  	s0 =	simm.s32 @!p0 $0x1  }
0x63: {  	_ =	swait.ge @!p0 [sflag:s0], s1  }
0x64: {  	s1 =	ssub.s32 @!p0 $0x0, s1;
	[sflag:s0] =	ssyncset.done @!p0 $0x0  }
0x65: {  	[sflag:s0] =	ssyncadd.s32 @!p0 s1  }
0x66: {  	[bflag:$0x3] =	sbarrier.arrive $0xFFFF  }
0x67: {  	_ =	shalt  }

</sc_bundles>
